<compile_context>
chip_gen: v7x
topology: tpu7x:2x2x1
jax: 0.10.2.dev20260603
libtpu: 0.0.44.dev20260713+nightly
codegen_flags: <defaults>
</compile_context>

<pallas_src>
import functools

import jax
import jax.numpy as jnp
from jax import lax
from jax.experimental import pallas as pl
from jax.experimental.pallas import tpu as pltpu
from jax.experimental.pallas import tpu_sc as plsc

NODE_NUM = 100000
N_UPDATES = 1600000

NUM_CORES = 2
NUM_SUBCORES = 16
NUM_WORKERS = NUM_CORES * NUM_SUBCORES
PER_WORKER = N_UPDATES // NUM_WORKERS
CHUNK = 10000
NUM_CHUNKS = PER_WORKER // CHUNK
NODE_PAD = 100096
SLICE = NODE_PAD // NUM_SUBCORES


def _sc_accumulate(idx_hbm, val_hbm,
                   sums_out, counts_out,
                   idx_v0, idx_v1, val_v0, val_v1, ones_v, stage_v,
                   sums_sh, counts_sh,
                   isem0, isem1, vsem0, vsem1, zsem0, zsem1):
    cid = lax.axis_index("c")
    sid = lax.axis_index("s")
    wid = cid * NUM_SUBCORES + sid
    base = wid * PER_WORKER
    idx_v = (idx_v0, idx_v1)
    val_v = (val_v0, val_v1)
    isem = (isem0, isem1)
    vsem = (vsem0, vsem1)

    def load(k):
        off = base + k * CHUNK
        b = k % 2
        return (
            pltpu.async_copy(idx_hbm.at[pl.ds(off, CHUNK)], idx_v[b], isem[b]),
            pltpu.async_copy(val_hbm.at[pl.ds(off, CHUNK)], val_v[b], vsem[b]),
        )

    lds = [load(0), load(1)]

    def fill_zero(i, carry):
        stage_v[pl.ds(i * 16, 16)] = jnp.zeros((16,), jnp.float32)
        return carry

    def fill_one(i, carry):
        ones_v[pl.ds(i * 16, 16)] = jnp.ones((16,), jnp.float32)
        return carry

    lax.fori_loop(0, SLICE // 16, fill_zero, 0)
    z1 = pltpu.async_copy(stage_v, sums_sh.at[pl.ds(sid * SLICE, SLICE)],
                          zsem0)
    z2 = pltpu.async_copy(stage_v, counts_sh.at[pl.ds(sid * SLICE, SLICE)],
                          zsem1)
    lax.fori_loop(0, CHUNK // 16, fill_one, 0)
    z1.wait()
    z2.wait()
    plsc.subcore_barrier()

    for k in range(NUM_CHUNKS):
        b = k % 2
        for c in lds[k]:
            c.wait()
        pltpu.sync_copy(val_v[b], sums_sh.at[idx_v[b]], add=True)
        pltpu.sync_copy(ones_v, counts_sh.at[idx_v[b]], add=True)
        if k + 2 < NUM_CHUNKS:
            lds.append(load(k + 2))
    plsc.subcore_barrier()

    sl = pl.ds(sid * SLICE, SLICE)
    osl = pl.ds(cid * NODE_PAD + sid * SLICE, SLICE)
    stage_c = ones_v.at[pl.ds(0, SLICE)]
    d1 = pltpu.async_copy(sums_sh.at[sl], stage_v, zsem0)
    d2 = pltpu.async_copy(counts_sh.at[sl], stage_c, zsem1)
    d1.wait()
    d2.wait()
    d3 = pltpu.async_copy(stage_v, sums_out.at[osl], zsem0)
    d4 = pltpu.async_copy(stage_c, counts_out.at[osl], zsem1)
    d3.wait()
    d4.wait()


_sc_call = functools.partial(
    pl.kernel,
    out_type=(
        jax.ShapeDtypeStruct((NUM_CORES * NODE_PAD,), jnp.float32),
        jax.ShapeDtypeStruct((NUM_CORES * NODE_PAD,), jnp.float32),
    ),
    mesh=plsc.VectorSubcoreMesh(core_axis_name="c", subcore_axis_name="s"),
    scratch_types=(
        pltpu.VMEM((CHUNK,), jnp.int32),
        pltpu.VMEM((CHUNK,), jnp.int32),
        pltpu.VMEM((CHUNK,), jnp.float32),
        pltpu.VMEM((CHUNK,), jnp.float32),
        pltpu.VMEM((CHUNK,), jnp.float32),
        pltpu.VMEM((SLICE,), jnp.float32),
        pltpu.VMEM_SHARED((NODE_PAD,), jnp.float32),
        pltpu.VMEM_SHARED((NODE_PAD,), jnp.float32),
        pltpu.SemaphoreType.DMA,
        pltpu.SemaphoreType.DMA,
        pltpu.SemaphoreType.DMA,
        pltpu.SemaphoreType.DMA,
        pltpu.SemaphoreType.DMA,
        pltpu.SemaphoreType.DMA,
    ),
)(_sc_accumulate)


def _combine_body(state_ref, sums_ref, counts_ref, out_ref):
    s = sums_ref[pl.ds(0, NODE_NUM)] + sums_ref[pl.ds(NODE_PAD, NODE_NUM)]
    c = counts_ref[pl.ds(0, NODE_NUM)] + counts_ref[pl.ds(NODE_PAD, NODE_NUM)]
    out_ref[...] = state_ref[...] + s / jnp.maximum(c, 1.0)


def kernel(node_errors_state, node_errors, node_indices):
    sums, counts = _sc_call(node_indices, node_errors)
    return pl.pallas_call(
        _combine_body,
        out_shape=jax.ShapeDtypeStruct((NODE_NUM,), jnp.float32),
    )(node_errors_state, sums, counts)

# --- scband reference (transcript-rebuilt; emitter-appended) ---
"""Pipeline reference for scband-dynamic-graph-16587163697591 (READ-ONLY COPY).

The authoritative reference and input builder live on the scoring server;
editing this copy changes nothing except your own understanding.
"""

import jax, jax.numpy as jnp
import numpy as np

NODE_NUM = 100000
N_UPDATES = 1600000


def scatter_mean(values, index, dim_size):
    # torch_scatter.scatter_mean equivalent: segment-sum / segment-count
    sums = jax.ops.segment_sum(values, index, num_segments=dim_size)
    counts = jax.ops.segment_sum(jnp.ones_like(values), index, num_segments=dim_size)
    return sums / jnp.maximum(counts, 1.0)


def setup_inputs(seed: int = 0) -> dict:
    key = jax.random.key(seed)
    k1, k2, k3 = jax.random.split(key, 3)
    node_indices = jax.random.randint(k1, (N_UPDATES,), 0, NODE_NUM, dtype=jnp.int32)
    node_errors = jax.random.normal(k2, (N_UPDATES,), dtype=jnp.float32)
    # persistent module state: per-node error memory (initial_node_errors = 0.0)
    node_errors_state = jnp.zeros((NODE_NUM,), dtype=jnp.float32)
    return {
        "node_errors_state": node_errors_state,
        "node_errors": node_errors,
        "node_indices": node_indices,
    }


def reference(node_errors_state, node_errors, node_indices):
    # DynamicGraph.update_node_errors(node_indices, node_errors, operation='add')
    updated_errors = scatter_mean(node_errors, node_indices, NODE_NUM)
    new_state = node_errors_state + updated_errors
    return new_state

if __name__ == "__main__":
    import jax
    _d = setup_inputs()
    print(jax.jit(kernel)(*tuple(_d.values())))

</pallas_src>

<mosaic_0001>
#map = affine_map<(d0, d1) -> (0)>
module attributes {stable_mosaic.version = 14 : i64} {
  func.func @_sc_accumulate(%arg0: i32, %arg1: i32, %arg2: memref<1600000xi32, #tpu.memory_space<hbm>>, %arg3: memref<1600000xf32, #tpu.memory_space<hbm>>, %arg4: memref<200192xf32, #tpu.memory_space<hbm>>, %arg5: memref<200192xf32, #tpu.memory_space<hbm>>, %arg6: memref<10000xi32, #tpu.memory_space<vmem>>, %arg7: memref<10000xi32, #tpu.memory_space<vmem>>, %arg8: memref<10000xf32, #tpu.memory_space<vmem>>, %arg9: memref<10000xf32, #tpu.memory_space<vmem>>, %arg10: memref<10000xf32, #tpu.memory_space<vmem>>, %arg11: memref<6256xf32, #tpu.memory_space<vmem>>, %arg12: memref<100096xf32, #tpu.memory_space<vmem_shared>>, %arg13: memref<100096xf32, #tpu.memory_space<vmem_shared>>, %arg14: memref<!tpu.dma_semaphore, #tpu.memory_space<semaphore_mem>>, %arg15: memref<!tpu.dma_semaphore, #tpu.memory_space<semaphore_mem>>, %arg16: memref<!tpu.dma_semaphore, #tpu.memory_space<semaphore_mem>>, %arg17: memref<!tpu.dma_semaphore, #tpu.memory_space<semaphore_mem>>, %arg18: memref<!tpu.dma_semaphore, #tpu.memory_space<semaphore_mem>>, %arg19: memref<!tpu.dma_semaphore, #tpu.memory_space<semaphore_mem>>) attributes {dimension_semantics = [#tpu.dimension_semantics<core_parallel>, #tpu.dimension_semantics<subcore_parallel>], iteration_bounds = array<i64: 2, 16>, scalar_prefetch = 0 : i64, scratch_operands = 14 : i64, tpu.core_type = #tpu.core_type<sc_vector_subcore>, window_params = [{transform_indices = #map}, {transform_indices = #map}, {transform_indices = #map}, {transform_indices = #map}]} {
    %mul3A = arith.constant 16 : i32
    %mul3A_0 = arith.muli %arg0, %mul3A : i32
    %add3A = arith.addi %mul3A_0, %arg1 : i32
    %mul3A_1 = arith.constant 50000 : i32
    %mul3A_2 = arith.muli %add3A, %mul3A_1 : i32
    %add3A_3 = arith.constant 0 : i32
    %add3A_4 = arith.addi %mul3A_2, %add3A_3 : i32
    %dma_start3A = tpu.memref_slice %arg2[%add3A_4] : memref<1600000xi32, #tpu.memory_space<hbm>> -> memref<10000xi32, #tpu.memory_space<hbm>>
    %dma_start3A_5 = tpu.memref_slice %arg2[%add3A_4] : memref<1600000xi32, #tpu.memory_space<hbm>> -> memref<10000xi32, #tpu.memory_space<hbm>>
    tpu.enqueue_dma source(%dma_start3A_5 : memref<10000xi32, #tpu.memory_space<hbm>>) target(%arg6 : memref<10000xi32, #tpu.memory_space<vmem>>) target_semaphore(%arg14 : memref<!tpu.dma_semaphore, #tpu.memory_space<semaphore_mem>>)
    %dma_start3A_6 = tpu.memref_slice %arg3[%add3A_4] : memref<1600000xf32, #tpu.memory_space<hbm>> -> memref<10000xf32, #tpu.memory_space<hbm>>
    %dma_start3A_7 = tpu.memref_slice %arg3[%add3A_4] : memref<1600000xf32, #tpu.memory_space<hbm>> -> memref<10000xf32, #tpu.memory_space<hbm>>
    tpu.enqueue_dma source(%dma_start3A_7 : memref<10000xf32, #tpu.memory_space<hbm>>) target(%arg8 : memref<10000xf32, #tpu.memory_space<vmem>>) target_semaphore(%arg16 : memref<!tpu.dma_semaphore, #tpu.memory_space<semaphore_mem>>)
    %add3A_8 = arith.constant 10000 : i32
    %add3A_9 = arith.addi %mul3A_2, %add3A_8 : i32
    %dma_start3A_10 = tpu.memref_slice %arg2[%add3A_9] : memref<1600000xi32, #tpu.memory_space<hbm>> -> memref<10000xi32, #tpu.memory_space<hbm>>
    %dma_start3A_11 = tpu.memref_slice %arg2[%add3A_9] : memref<1600000xi32, #tpu.memory_space<hbm>> -> memref<10000xi32, #tpu.memory_space<hbm>>
    tpu.enqueue_dma source(%dma_start3A_11 : memref<10000xi32, #tpu.memory_space<hbm>>) target(%arg7 : memref<10000xi32, #tpu.memory_space<vmem>>) target_semaphore(%arg15 : memref<!tpu.dma_semaphore, #tpu.memory_space<semaphore_mem>>)
    %dma_start3A_12 = tpu.memref_slice %arg3[%add3A_9] : memref<1600000xf32, #tpu.memory_space<hbm>> -> memref<10000xf32, #tpu.memory_space<hbm>>
    %dma_start3A_13 = tpu.memref_slice %arg3[%add3A_9] : memref<1600000xf32, #tpu.memory_space<hbm>> -> memref<10000xf32, #tpu.memory_space<hbm>>
    tpu.enqueue_dma source(%dma_start3A_13 : memref<10000xf32, #tpu.memory_space<hbm>>) target(%arg9 : memref<10000xf32, #tpu.memory_space<vmem>>) target_semaphore(%arg17 : memref<!tpu.dma_semaphore, #tpu.memory_space<semaphore_mem>>)
    %scan3A = arith.constant 0 : i32
    %scan3A_14 = arith.constant 0 : i32
    %scan3A_15 = arith.constant 391 : i32
    %scan3A_16 = arith.addi %scan3A_14, %scan3A_15 : i32
    %scan3A_17 = arith.constant 1 : i32
    scf.for %scan3A_114 = %scan3A_14 to %scan3A_16 step %scan3A_17  : i32 {
      %broadcast_in_dim3A = arith.constant 0.000000e+00 : f32
      %broadcast_in_dim3A_115 = vector.broadcast %broadcast_in_dim3A : f32 to vector<16xf32>
      %mul3A_116 = arith.constant 16 : i32
      %mul3A_117 = arith.muli %scan3A_114, %mul3A_116 : i32
      %swap3A = arith.index_cast %mul3A_117 : i32 to index
      %swap3A_118 = tpu.vector_load %arg11[%swap3A] {strides = array<i32>} : memref<6256xf32, #tpu.memory_space<vmem>>, vector<16xf32>,
      %swap3A_119 = vector.shape_cast %swap3A_118 : vector<16xf32> to vector<16xf32>
      %swap3A_120 = vector.shape_cast %broadcast_in_dim3A_115 : vector<16xf32> to vector<16xf32>
      tpu.vector_store %arg11[%swap3A], %swap3A_120 {strides = array<i32>} : memref<6256xf32, #tpu.memory_space<vmem>>, vector<16xf32>,
    }
    %scan3A_18 = arith.constant 391 : i32
    %mul3A_19 = arith.constant 6256 : i32
    %mul3A_20 = arith.muli %arg1, %mul3A_19 : i32
    %dma_start3A_21 = tpu.memref_slice %arg12[%mul3A_20] : memref<100096xf32, #tpu.memory_space<vmem_shared>> -> memref<6256xf32, #tpu.memory_space<vmem_shared>>
    %dma_start3A_22 = tpu.memref_slice %arg12[%mul3A_20] : memref<100096xf32, #tpu.memory_space<vmem_shared>> -> memref<6256xf32, #tpu.memory_space<vmem_shared>>
    tpu.enqueue_dma source(%arg11 : memref<6256xf32, #tpu.memory_space<vmem>>) target(%dma_start3A_22 : memref<6256xf32, #tpu.memory_space<vmem_shared>>) target_semaphore(%arg18 : memref<!tpu.dma_semaphore, #tpu.memory_space<semaphore_mem>>)
    %mul3A_23 = arith.constant 6256 : i32
    %mul3A_24 = arith.muli %arg1, %mul3A_23 : i32
    %dma_start3A_25 = tpu.memref_slice %arg13[%mul3A_24] : memref<100096xf32, #tpu.memory_space<vmem_shared>> -> memref<6256xf32, #tpu.memory_space<vmem_shared>>
    %dma_start3A_26 = tpu.memref_slice %arg13[%mul3A_24] : memref<100096xf32, #tpu.memory_space<vmem_shared>> -> memref<6256xf32, #tpu.memory_space<vmem_shared>>
    tpu.enqueue_dma source(%arg11 : memref<6256xf32, #tpu.memory_space<vmem>>) target(%dma_start3A_26 : memref<6256xf32, #tpu.memory_space<vmem_shared>>) target_semaphore(%arg19 : memref<!tpu.dma_semaphore, #tpu.memory_space<semaphore_mem>>)
    %scan3A_27 = arith.constant 0 : i32
    %scan3A_28 = arith.constant 0 : i32
    %scan3A_29 = arith.constant 625 : i32
    %scan3A_30 = arith.addi %scan3A_28, %scan3A_29 : i32
    %scan3A_31 = arith.constant 1 : i32
    scf.for %scan3A_114 = %scan3A_28 to %scan3A_30 step %scan3A_31  : i32 {
      %broadcast_in_dim3A = arith.constant 1.000000e+00 : f32
      %broadcast_in_dim3A_115 = vector.broadcast %broadcast_in_dim3A : f32 to vector<16xf32>
      %mul3A_116 = arith.constant 16 : i32
      %mul3A_117 = arith.muli %scan3A_114, %mul3A_116 : i32
      %swap3A = arith.index_cast %mul3A_117 : i32 to index
      %swap3A_118 = tpu.vector_load %arg10[%swap3A] {strides = array<i32>} : memref<10000xf32, #tpu.memory_space<vmem>>, vector<16xf32>,
      %swap3A_119 = vector.shape_cast %swap3A_118 : vector<16xf32> to vector<16xf32>
      %swap3A_120 = vector.shape_cast %broadcast_in_dim3A_115 : vector<16xf32> to vector<16xf32>
      tpu.vector_store %arg10[%swap3A], %swap3A_120 {strides = array<i32>} : memref<10000xf32, #tpu.memory_space<vmem>>, vector<16xf32>,
    }
    %scan3A_32 = arith.constant 625 : i32
    %dma_wait3A = tpu.memref_slice %arg12[%mul3A_20] : memref<100096xf32, #tpu.memory_space<vmem_shared>> -> memref<6256xf32, #tpu.memory_space<vmem_shared>>
    %dma_wait3A_33 = tpu.memref_slice %arg12[%mul3A_20] : memref<100096xf32, #tpu.memory_space<vmem_shared>> -> memref<6256xf32, #tpu.memory_space<vmem_shared>>
    tpu.wait_dma2 semaphore(%arg18 : memref<!tpu.dma_semaphore, #tpu.memory_space<semaphore_mem>>) src(%arg11 : memref<6256xf32, #tpu.memory_space<vmem>>) dst(%dma_wait3A_33 : memref<6256xf32, #tpu.memory_space<vmem_shared>>)
    %dma_wait3A_34 = tpu.memref_slice %arg13[%mul3A_24] : memref<100096xf32, #tpu.memory_space<vmem_shared>> -> memref<6256xf32, #tpu.memory_space<vmem_shared>>
    %dma_wait3A_35 = tpu.memref_slice %arg13[%mul3A_24] : memref<100096xf32, #tpu.memory_space<vmem_shared>> -> memref<6256xf32, #tpu.memory_space<vmem_shared>>
    tpu.wait_dma2 semaphore(%arg19 : memref<!tpu.dma_semaphore, #tpu.memory_space<semaphore_mem>>) src(%arg11 : memref<6256xf32, #tpu.memory_space<vmem>>) dst(%dma_wait3A_35 : memref<6256xf32, #tpu.memory_space<vmem_shared>>)
    %barrier3A = arith.constant 0 : index
    tpu.barrier barrier_id(%barrier3A)
    %dma_wait3A_36 = tpu.memref_slice %arg2[%add3A_4] : memref<1600000xi32, #tpu.memory_space<hbm>> -> memref<10000xi32, #tpu.memory_space<hbm>>
    %dma_wait3A_37 = tpu.memref_slice %arg2[%add3A_4] : memref<1600000xi32, #tpu.memory_space<hbm>> -> memref<10000xi32, #tpu.memory_space<hbm>>
    tpu.wait_dma2 semaphore(%arg14 : memref<!tpu.dma_semaphore, #tpu.memory_space<semaphore_mem>>) src(%dma_wait3A_37 : memref<10000xi32, #tpu.memory_space<hbm>>) dst(%arg6 : memref<10000xi32, #tpu.memory_space<vmem>>)
    %dma_wait3A_38 = tpu.memref_slice %arg3[%add3A_4] : memref<1600000xf32, #tpu.memory_space<hbm>> -> memref<10000xf32, #tpu.memory_space<hbm>>
    %dma_wait3A_39 = tpu.memref_slice %arg3[%add3A_4] : memref<1600000xf32, #tpu.memory_space<hbm>> -> memref<10000xf32, #tpu.memory_space<hbm>>
    tpu.wait_dma2 semaphore(%arg16 : memref<!tpu.dma_semaphore, #tpu.memory_space<semaphore_mem>>) src(%dma_wait3A_39 : memref<10000xf32, #tpu.memory_space<hbm>>) dst(%arg8 : memref<10000xf32, #tpu.memory_space<vmem>>)
    "tpu.region"() ({
      %run_scoped3A = tpu.sem_alloc : memref<!tpu.dma_semaphore, #tpu.memory_space<semaphore_mem>>
      %dma_start3A_114 = arith.constant 0 : i32
      %dma_start3A_115 = tpu.memref_slice %arg12[%dma_start3A_114] : memref<100096xf32, #tpu.memory_space<vmem_shared>> -> memref<100096xf32, #tpu.memory_space<vmem_shared>>
      tpu.enqueue_indirect_dma source(%arg8 : memref<10000xf32, #tpu.memory_space<vmem>>) target(%dma_start3A_115 : memref<100096xf32, #tpu.memory_space<vmem_shared>>) offsets(%arg6 : memref<10000xi32, #tpu.memory_space<vmem>>) semaphore(%run_scoped3A : memref<!tpu.dma_semaphore, #tpu.memory_space<semaphore_mem>>) {add = true}
      %dma_wait3A_116 = arith.constant 0 : i32
      %dma_wait3A_117 = tpu.memref_slice %arg12[%dma_wait3A_116] : memref<100096xf32, #tpu.memory_space<vmem_shared>> -> memref<100096xf32, #tpu.memory_space<vmem_shared>>
      tpu.wait_indirect_dma semaphore(%run_scoped3A : memref<!tpu.dma_semaphore, #tpu.memory_space<semaphore_mem>>) src(%arg8 : memref<10000xf32, #tpu.memory_space<vmem>>) dst(%dma_wait3A_117 : memref<100096xf32, #tpu.memory_space<vmem_shared>>)
      tpu.yield
    }) : () -> ()
    "tpu.region"() ({
      %run_scoped3A = tpu.sem_alloc : memref<!tpu.dma_semaphore, #tpu.memory_space<semaphore_mem>>
      %dma_start3A_114 = arith.constant 0 : i32
      %dma_start3A_115 = tpu.memref_slice %arg13[%dma_start3A_114] : memref<100096xf32, #tpu.memory_space<vmem_shared>> -> memref<100096xf32, #tpu.memory_space<vmem_shared>>
      tpu.enqueue_indirect_dma source(%arg10 : memref<10000xf32, #tpu.memory_space<vmem>>) target(%dma_start3A_115 : memref<100096xf32, #tpu.memory_space<vmem_shared>>) offsets(%arg6 : memref<10000xi32, #tpu.memory_space<vmem>>) semaphore(%run_scoped3A : memref<!tpu.dma_semaphore, #tpu.memory_space<semaphore_mem>>) {add = true}
      %dma_wait3A_116 = arith.constant 0 : i32
      %dma_wait3A_117 = tpu.memref_slice %arg13[%dma_wait3A_116] : memref<100096xf32, #tpu.memory_space<vmem_shared>> -> memref<100096xf32, #tpu.memory_space<vmem_shared>>
      tpu.wait_indirect_dma semaphore(%run_scoped3A : memref<!tpu.dma_semaphore, #tpu.memory_space<semaphore_mem>>) src(%arg10 : memref<10000xf32, #tpu.memory_space<vmem>>) dst(%dma_wait3A_117 : memref<100096xf32, #tpu.memory_space<vmem_shared>>)
      tpu.yield
    }) : () -> ()
    %add3A_40 = arith.constant 20000 : i32
    %add3A_41 = arith.addi %mul3A_2, %add3A_40 : i32
    %dma_start3A_42 = tpu.memref_slice %arg2[%add3A_41] : memref<1600000xi32, #tpu.memory_space<hbm>> -> memref<10000xi32, #tpu.memory_space<hbm>>
    %dma_start3A_43 = tpu.memref_slice %arg2[%add3A_41] : memref<1600000xi32, #tpu.memory_space<hbm>> -> memref<10000xi32, #tpu.memory_space<hbm>>
    tpu.enqueue_dma source(%dma_start3A_43 : memref<10000xi32, #tpu.memory_space<hbm>>) target(%arg6 : memref<10000xi32, #tpu.memory_space<vmem>>) target_semaphore(%arg14 : memref<!tpu.dma_semaphore, #tpu.memory_space<semaphore_mem>>)
    %dma_start3A_44 = tpu.memref_slice %arg3[%add3A_41] : memref<1600000xf32, #tpu.memory_space<hbm>> -> memref<10000xf32, #tpu.memory_space<hbm>>
    %dma_start3A_45 = tpu.memref_slice %arg3[%add3A_41] : memref<1600000xf32, #tpu.memory_space<hbm>> -> memref<10000xf32, #tpu.memory_space<hbm>>
    tpu.enqueue_dma source(%dma_start3A_45 : memref<10000xf32, #tpu.memory_space<hbm>>) target(%arg8 : memref<10000xf32, #tpu.memory_space<vmem>>) target_semaphore(%arg16 : memref<!tpu.dma_semaphore, #tpu.memory_space<semaphore_mem>>)
    %dma_wait3A_46 = tpu.memref_slice %arg2[%add3A_9] : memref<1600000xi32, #tpu.memory_space<hbm>> -> memref<10000xi32, #tpu.memory_space<hbm>>
    %dma_wait3A_47 = tpu.memref_slice %arg2[%add3A_9] : memref<1600000xi32, #tpu.memory_space<hbm>> -> memref<10000xi32, #tpu.memory_space<hbm>>
    tpu.wait_dma2 semaphore(%arg15 : memref<!tpu.dma_semaphore, #tpu.memory_space<semaphore_mem>>) src(%dma_wait3A_47 : memref<10000xi32, #tpu.memory_space<hbm>>) dst(%arg7 : memref<10000xi32, #tpu.memory_space<vmem>>)
    %dma_wait3A_48 = tpu.memref_slice %arg3[%add3A_9] : memref<1600000xf32, #tpu.memory_space<hbm>> -> memref<10000xf32, #tpu.memory_space<hbm>>
    %dma_wait3A_49 = tpu.memref_slice %arg3[%add3A_9] : memref<1600000xf32, #tpu.memory_space<hbm>> -> memref<10000xf32, #tpu.memory_space<hbm>>
    tpu.wait_dma2 semaphore(%arg17 : memref<!tpu.dma_semaphore, #tpu.memory_space<semaphore_mem>>) src(%dma_wait3A_49 : memref<10000xf32, #tpu.memory_space<hbm>>) dst(%arg9 : memref<10000xf32, #tpu.memory_space<vmem>>)
    "tpu.region"() ({
      %run_scoped3A = tpu.sem_alloc : memref<!tpu.dma_semaphore, #tpu.memory_space<semaphore_mem>>
      %dma_start3A_114 = arith.constant 0 : i32
      %dma_start3A_115 = tpu.memref_slice %arg12[%dma_start3A_114] : memref<100096xf32, #tpu.memory_space<vmem_shared>> -> memref<100096xf32, #tpu.memory_space<vmem_shared>>
      tpu.enqueue_indirect_dma source(%arg9 : memref<10000xf32, #tpu.memory_space<vmem>>) target(%dma_start3A_115 : memref<100096xf32, #tpu.memory_space<vmem_shared>>) offsets(%arg7 : memref<10000xi32, #tpu.memory_space<vmem>>) semaphore(%run_scoped3A : memref<!tpu.dma_semaphore, #tpu.memory_space<semaphore_mem>>) {add = true}
      %dma_wait3A_116 = arith.constant 0 : i32
      %dma_wait3A_117 = tpu.memref_slice %arg12[%dma_wait3A_116] : memref<100096xf32, #tpu.memory_space<vmem_shared>> -> memref<100096xf32, #tpu.memory_space<vmem_shared>>
      tpu.wait_indirect_dma semaphore(%run_scoped3A : memref<!tpu.dma_semaphore, #tpu.memory_space<semaphore_mem>>) src(%arg9 : memref<10000xf32, #tpu.memory_space<vmem>>) dst(%dma_wait3A_117 : memref<100096xf32, #tpu.memory_space<vmem_shared>>)
      tpu.yield
    }) : () -> ()
    "tpu.region"() ({
      %run_scoped3A = tpu.sem_alloc : memref<!tpu.dma_semaphore, #tpu.memory_space<semaphore_mem>>
      %dma_start3A_114 = arith.constant 0 : i32
      %dma_start3A_115 = tpu.memref_slice %arg13[%dma_start3A_114] : memref<100096xf32, #tpu.memory_space<vmem_shared>> -> memref<100096xf32, #tpu.memory_space<vmem_shared>>
      tpu.enqueue_indirect_dma source(%arg10 : memref<10000xf32, #tpu.memory_space<vmem>>) target(%dma_start3A_115 : memref<100096xf32, #tpu.memory_space<vmem_shared>>) offsets(%arg7 : memref<10000xi32, #tpu.memory_space<vmem>>) semaphore(%run_scoped3A : memref<!tpu.dma_semaphore, #tpu.memory_space<semaphore_mem>>) {add = true}
      %dma_wait3A_116 = arith.constant 0 : i32
      %dma_wait3A_117 = tpu.memref_slice %arg13[%dma_wait3A_116] : memref<100096xf32, #tpu.memory_space<vmem_shared>> -> memref<100096xf32, #tpu.memory_space<vmem_shared>>
      tpu.wait_indirect_dma semaphore(%run_scoped3A : memref<!tpu.dma_semaphore, #tpu.memory_space<semaphore_mem>>) src(%arg10 : memref<10000xf32, #tpu.memory_space<vmem>>) dst(%dma_wait3A_117 : memref<100096xf32, #tpu.memory_space<vmem_shared>>)
      tpu.yield
    }) : () -> ()
    %add3A_50 = arith.constant 30000 : i32
    %add3A_51 = arith.addi %mul3A_2, %add3A_50 : i32
    %dma_start3A_52 = tpu.memref_slice %arg2[%add3A_51] : memref<1600000xi32, #tpu.memory_space<hbm>> -> memref<10000xi32, #tpu.memory_space<hbm>>
    %dma_start3A_53 = tpu.memref_slice %arg2[%add3A_51] : memref<1600000xi32, #tpu.memory_space<hbm>> -> memref<10000xi32, #tpu.memory_space<hbm>>
    tpu.enqueue_dma source(%dma_start3A_53 : memref<10000xi32, #tpu.memory_space<hbm>>) target(%arg7 : memref<10000xi32, #tpu.memory_space<vmem>>) target_semaphore(%arg15 : memref<!tpu.dma_semaphore, #tpu.memory_space<semaphore_mem>>)
    %dma_start3A_54 = tpu.memref_slice %arg3[%add3A_51] : memref<1600000xf32, #tpu.memory_space<hbm>> -> memref<10000xf32, #tpu.memory_space<hbm>>
    %dma_start3A_55 = tpu.memref_slice %arg3[%add3A_51] : memref<1600000xf32, #tpu.memory_space<hbm>> -> memref<10000xf32, #tpu.memory_space<hbm>>
    tpu.enqueue_dma source(%dma_start3A_55 : memref<10000xf32, #tpu.memory_space<hbm>>) target(%arg9 : memref<10000xf32, #tpu.memory_space<vmem>>) target_semaphore(%arg17 : memref<!tpu.dma_semaphore, #tpu.memory_space<semaphore_mem>>)
    %dma_wait3A_56 = tpu.memref_slice %arg2[%add3A_41] : memref<1600000xi32, #tpu.memory_space<hbm>> -> memref<10000xi32, #tpu.memory_space<hbm>>
    %dma_wait3A_57 = tpu.memref_slice %arg2[%add3A_41] : memref<1600000xi32, #tpu.memory_space<hbm>> -> memref<10000xi32, #tpu.memory_space<hbm>>
    tpu.wait_dma2 semaphore(%arg14 : memref<!tpu.dma_semaphore, #tpu.memory_space<semaphore_mem>>) src(%dma_wait3A_57 : memref<10000xi32, #tpu.memory_space<hbm>>) dst(%arg6 : memref<10000xi32, #tpu.memory_space<vmem>>)
    %dma_wait3A_58 = tpu.memref_slice %arg3[%add3A_41] : memref<1600000xf32, #tpu.memory_space<hbm>> -> memref<10000xf32, #tpu.memory_space<hbm>>
    %dma_wait3A_59 = tpu.memref_slice %arg3[%add3A_41] : memref<1600000xf32, #tpu.memory_space<hbm>> -> memref<10000xf32, #tpu.memory_space<hbm>>
    tpu.wait_dma2 semaphore(%arg16 : memref<!tpu.dma_semaphore, #tpu.memory_space<semaphore_mem>>) src(%dma_wait3A_59 : memref<10000xf32, #tpu.memory_space<hbm>>) dst(%arg8 : memref<10000xf32, #tpu.memory_space<vmem>>)
    "tpu.region"() ({
      %run_scoped3A = tpu.sem_alloc : memref<!tpu.dma_semaphore, #tpu.memory_space<semaphore_mem>>
      %dma_start3A_114 = arith.constant 0 : i32
      %dma_start3A_115 = tpu.memref_slice %arg12[%dma_start3A_114] : memref<100096xf32, #tpu.memory_space<vmem_shared>> -> memref<100096xf32, #tpu.memory_space<vmem_shared>>
      tpu.enqueue_indirect_dma source(%arg8 : memref<10000xf32, #tpu.memory_space<vmem>>) target(%dma_start3A_115 : memref<100096xf32, #tpu.memory_space<vmem_shared>>) offsets(%arg6 : memref<10000xi32, #tpu.memory_space<vmem>>) semaphore(%run_scoped3A : memref<!tpu.dma_semaphore, #tpu.memory_space<semaphore_mem>>) {add = true}
      %dma_wait3A_116 = arith.constant 0 : i32
      %dma_wait3A_117 = tpu.memref_slice %arg12[%dma_wait3A_116] : memref<100096xf32, #tpu.memory_space<vmem_shared>> -> memref<100096xf32, #tpu.memory_space<vmem_shared>>
      tpu.wait_indirect_dma semaphore(%run_scoped3A : memref<!tpu.dma_semaphore, #tpu.memory_space<semaphore_mem>>) src(%arg8 : memref<10000xf32, #tpu.memory_space<vmem>>) dst(%dma_wait3A_117 : memref<100096xf32, #tpu.memory_space<vmem_shared>>)
      tpu.yield
    }) : () -> ()
    "tpu.region"() ({
      %run_scoped3A = tpu.sem_alloc : memref<!tpu.dma_semaphore, #tpu.memory_space<semaphore_mem>>
      %dma_start3A_114 = arith.constant 0 : i32
      %dma_start3A_115 = tpu.memref_slice %arg13[%dma_start3A_114] : memref<100096xf32, #tpu.memory_space<vmem_shared>> -> memref<100096xf32, #tpu.memory_space<vmem_shared>>
      tpu.enqueue_indirect_dma source(%arg10 : memref<10000xf32, #tpu.memory_space<vmem>>) target(%dma_start3A_115 : memref<100096xf32, #tpu.memory_space<vmem_shared>>) offsets(%arg6 : memref<10000xi32, #tpu.memory_space<vmem>>) semaphore(%run_scoped3A : memref<!tpu.dma_semaphore, #tpu.memory_space<semaphore_mem>>) {add = true}
      %dma_wait3A_116 = arith.constant 0 : i32
      %dma_wait3A_117 = tpu.memref_slice %arg13[%dma_wait3A_116] : memref<100096xf32, #tpu.memory_space<vmem_shared>> -> memref<100096xf32, #tpu.memory_space<vmem_shared>>
      tpu.wait_indirect_dma semaphore(%run_scoped3A : memref<!tpu.dma_semaphore, #tpu.memory_space<semaphore_mem>>) src(%arg10 : memref<10000xf32, #tpu.memory_space<vmem>>) dst(%dma_wait3A_117 : memref<100096xf32, #tpu.memory_space<vmem_shared>>)
      tpu.yield
    }) : () -> ()
    %add3A_60 = arith.constant 40000 : i32
    %add3A_61 = arith.addi %mul3A_2, %add3A_60 : i32
    %dma_start3A_62 = tpu.memref_slice %arg2[%add3A_61] : memref<1600000xi32, #tpu.memory_space<hbm>> -> memref<10000xi32, #tpu.memory_space<hbm>>
    %dma_start3A_63 = tpu.memref_slice %arg2[%add3A_61] : memref<1600000xi32, #tpu.memory_space<hbm>> -> memref<10000xi32, #tpu.memory_space<hbm>>
    tpu.enqueue_dma source(%dma_start3A_63 : memref<10000xi32, #tpu.memory_space<hbm>>) target(%arg6 : memref<10000xi32, #tpu.memory_space<vmem>>) target_semaphore(%arg14 : memref<!tpu.dma_semaphore, #tpu.memory_space<semaphore_mem>>)
    %dma_start3A_64 = tpu.memref_slice %arg3[%add3A_61] : memref<1600000xf32, #tpu.memory_space<hbm>> -> memref<10000xf32, #tpu.memory_space<hbm>>
    %dma_start3A_65 = tpu.memref_slice %arg3[%add3A_61] : memref<1600000xf32, #tpu.memory_space<hbm>> -> memref<10000xf32, #tpu.memory_space<hbm>>
    tpu.enqueue_dma source(%dma_start3A_65 : memref<10000xf32, #tpu.memory_space<hbm>>) target(%arg8 : memref<10000xf32, #tpu.memory_space<vmem>>) target_semaphore(%arg16 : memref<!tpu.dma_semaphore, #tpu.memory_space<semaphore_mem>>)
    %dma_wait3A_66 = tpu.memref_slice %arg2[%add3A_51] : memref<1600000xi32, #tpu.memory_space<hbm>> -> memref<10000xi32, #tpu.memory_space<hbm>>
    %dma_wait3A_67 = tpu.memref_slice %arg2[%add3A_51] : memref<1600000xi32, #tpu.memory_space<hbm>> -> memref<10000xi32, #tpu.memory_space<hbm>>
    tpu.wait_dma2 semaphore(%arg15 : memref<!tpu.dma_semaphore, #tpu.memory_space<semaphore_mem>>) src(%dma_wait3A_67 : memref<10000xi32, #tpu.memory_space<hbm>>) dst(%arg7 : memref<10000xi32, #tpu.memory_space<vmem>>)
    %dma_wait3A_68 = tpu.memref_slice %arg3[%add3A_51] : memref<1600000xf32, #tpu.memory_space<hbm>> -> memref<10000xf32, #tpu.memory_space<hbm>>
    %dma_wait3A_69 = tpu.memref_slice %arg3[%add3A_51] : memref<1600000xf32, #tpu.memory_space<hbm>> -> memref<10000xf32, #tpu.memory_space<hbm>>
    tpu.wait_dma2 semaphore(%arg17 : memref<!tpu.dma_semaphore, #tpu.memory_space<semaphore_mem>>) src(%dma_wait3A_69 : memref<10000xf32, #tpu.memory_space<hbm>>) dst(%arg9 : memref<10000xf32, #tpu.memory_space<vmem>>)
    "tpu.region"() ({
      %run_scoped3A = tpu.sem_alloc : memref<!tpu.dma_semaphore, #tpu.memory_space<semaphore_mem>>
      %dma_start3A_114 = arith.constant 0 : i32
      %dma_start3A_115 = tpu.memref_slice %arg12[%dma_start3A_114] : memref<100096xf32, #tpu.memory_space<vmem_shared>> -> memref<100096xf32, #tpu.memory_space<vmem_shared>>
      tpu.enqueue_indirect_dma source(%arg9 : memref<10000xf32, #tpu.memory_space<vmem>>) target(%dma_start3A_115 : memref<100096xf32, #tpu.memory_space<vmem_shared>>) offsets(%arg7 : memref<10000xi32, #tpu.memory_space<vmem>>) semaphore(%run_scoped3A : memref<!tpu.dma_semaphore, #tpu.memory_space<semaphore_mem>>) {add = true}
      %dma_wait3A_116 = arith.constant 0 : i32
      %dma_wait3A_117 = tpu.memref_slice %arg12[%dma_wait3A_116] : memref<100096xf32, #tpu.memory_space<vmem_shared>> -> memref<100096xf32, #tpu.memory_space<vmem_shared>>
      tpu.wait_indirect_dma semaphore(%run_scoped3A : memref<!tpu.dma_semaphore, #tpu.memory_space<semaphore_mem>>) src(%arg9 : memref<10000xf32, #tpu.memory_space<vmem>>) dst(%dma_wait3A_117 : memref<100096xf32, #tpu.memory_space<vmem_shared>>)
      tpu.yield
    }) : () -> ()
    "tpu.region"() ({
      %run_scoped3A = tpu.sem_alloc : memref<!tpu.dma_semaphore, #tpu.memory_space<semaphore_mem>>
      %dma_start3A_114 = arith.constant 0 : i32
      %dma_start3A_115 = tpu.memref_slice %arg13[%dma_start3A_114] : memref<100096xf32, #tpu.memory_space<vmem_shared>> -> memref<100096xf32, #tpu.memory_space<vmem_shared>>
      tpu.enqueue_indirect_dma source(%arg10 : memref<10000xf32, #tpu.memory_space<vmem>>) target(%dma_start3A_115 : memref<100096xf32, #tpu.memory_space<vmem_shared>>) offsets(%arg7 : memref<10000xi32, #tpu.memory_space<vmem>>) semaphore(%run_scoped3A : memref<!tpu.dma_semaphore, #tpu.memory_space<semaphore_mem>>) {add = true}
      %dma_wait3A_116 = arith.constant 0 : i32
      %dma_wait3A_117 = tpu.memref_slice %arg13[%dma_wait3A_116] : memref<100096xf32, #tpu.memory_space<vmem_shared>> -> memref<100096xf32, #tpu.memory_space<vmem_shared>>
      tpu.wait_indirect_dma semaphore(%run_scoped3A : memref<!tpu.dma_semaphore, #tpu.memory_space<semaphore_mem>>) src(%arg10 : memref<10000xf32, #tpu.memory_space<vmem>>) dst(%dma_wait3A_117 : memref<100096xf32, #tpu.memory_space<vmem_shared>>)
      tpu.yield
    }) : () -> ()
    %dma_wait3A_70 = tpu.memref_slice %arg2[%add3A_61] : memref<1600000xi32, #tpu.memory_space<hbm>> -> memref<10000xi32, #tpu.memory_space<hbm>>
    %dma_wait3A_71 = tpu.memref_slice %arg2[%add3A_61] : memref<1600000xi32, #tpu.memory_space<hbm>> -> memref<10000xi32, #tpu.memory_space<hbm>>
    tpu.wait_dma2 semaphore(%arg14 : memref<!tpu.dma_semaphore, #tpu.memory_space<semaphore_mem>>) src(%dma_wait3A_71 : memref<10000xi32, #tpu.memory_space<hbm>>) dst(%arg6 : memref<10000xi32, #tpu.memory_space<vmem>>)
    %dma_wait3A_72 = tpu.memref_slice %arg3[%add3A_61] : memref<1600000xf32, #tpu.memory_space<hbm>> -> memref<10000xf32, #tpu.memory_space<hbm>>
    %dma_wait3A_73 = tpu.memref_slice %arg3[%add3A_61] : memref<1600000xf32, #tpu.memory_space<hbm>> -> memref<10000xf32, #tpu.memory_space<hbm>>
    tpu.wait_dma2 semaphore(%arg16 : memref<!tpu.dma_semaphore, #tpu.memory_space<semaphore_mem>>) src(%dma_wait3A_73 : memref<10000xf32, #tpu.memory_space<hbm>>) dst(%arg8 : memref<10000xf32, #tpu.memory_space<vmem>>)
    "tpu.region"() ({
      %run_scoped3A = tpu.sem_alloc : memref<!tpu.dma_semaphore, #tpu.memory_space<semaphore_mem>>
      %dma_start3A_114 = arith.constant 0 : i32
      %dma_start3A_115 = tpu.memref_slice %arg12[%dma_start3A_114] : memref<100096xf32, #tpu.memory_space<vmem_shared>> -> memref<100096xf32, #tpu.memory_space<vmem_shared>>
      tpu.enqueue_indirect_dma source(%arg8 : memref<10000xf32, #tpu.memory_space<vmem>>) target(%dma_start3A_115 : memref<100096xf32, #tpu.memory_space<vmem_shared>>) offsets(%arg6 : memref<10000xi32, #tpu.memory_space<vmem>>) semaphore(%run_scoped3A : memref<!tpu.dma_semaphore, #tpu.memory_space<semaphore_mem>>) {add = true}
      %dma_wait3A_116 = arith.constant 0 : i32
      %dma_wait3A_117 = tpu.memref_slice %arg12[%dma_wait3A_116] : memref<100096xf32, #tpu.memory_space<vmem_shared>> -> memref<100096xf32, #tpu.memory_space<vmem_shared>>
      tpu.wait_indirect_dma semaphore(%run_scoped3A : memref<!tpu.dma_semaphore, #tpu.memory_space<semaphore_mem>>) src(%arg8 : memref<10000xf32, #tpu.memory_space<vmem>>) dst(%dma_wait3A_117 : memref<100096xf32, #tpu.memory_space<vmem_shared>>)
      tpu.yield
    }) : () -> ()
    "tpu.region"() ({
      %run_scoped3A = tpu.sem_alloc : memref<!tpu.dma_semaphore, #tpu.memory_space<semaphore_mem>>
      %dma_start3A_114 = arith.constant 0 : i32
      %dma_start3A_115 = tpu.memref_slice %arg13[%dma_start3A_114] : memref<100096xf32, #tpu.memory_space<vmem_shared>> -> memref<100096xf32, #tpu.memory_space<vmem_shared>>
      tpu.enqueue_indirect_dma source(%arg10 : memref<10000xf32, #tpu.memory_space<vmem>>) target(%dma_start3A_115 : memref<100096xf32, #tpu.memory_space<vmem_shared>>) offsets(%arg6 : memref<10000xi32, #tpu.memory_space<vmem>>) semaphore(%run_scoped3A : memref<!tpu.dma_semaphore, #tpu.memory_space<semaphore_mem>>) {add = true}
      %dma_wait3A_116 = arith.constant 0 : i32
      %dma_wait3A_117 = tpu.memref_slice %arg13[%dma_wait3A_116] : memref<100096xf32, #tpu.memory_space<vmem_shared>> -> memref<100096xf32, #tpu.memory_space<vmem_shared>>
      tpu.wait_indirect_dma semaphore(%run_scoped3A : memref<!tpu.dma_semaphore, #tpu.memory_space<semaphore_mem>>) src(%arg10 : memref<10000xf32, #tpu.memory_space<vmem>>) dst(%dma_wait3A_117 : memref<100096xf32, #tpu.memory_space<vmem_shared>>)
      tpu.yield
    }) : () -> ()
    %barrier3A_74 = arith.constant 0 : index
    tpu.barrier barrier_id(%barrier3A_74)
    %mul3A_75 = arith.constant 6256 : i32
    %mul3A_76 = arith.muli %arg1, %mul3A_75 : i32
    %mul3A_77 = arith.constant 100096 : i32
    %mul3A_78 = arith.muli %arg0, %mul3A_77 : i32
    %mul3A_79 = arith.constant 6256 : i32
    %mul3A_80 = arith.muli %arg1, %mul3A_79 : i32
    %add3A_81 = arith.addi %mul3A_78, %mul3A_80 : i32
    %dma_start3A_82 = tpu.memref_slice %arg12[%mul3A_76] : memref<100096xf32, #tpu.memory_space<vmem_shared>> -> memref<6256xf32, #tpu.memory_space<vmem_shared>>
    %dma_start3A_83 = tpu.memref_slice %arg12[%mul3A_76] : memref<100096xf32, #tpu.memory_space<vmem_shared>> -> memref<6256xf32, #tpu.memory_space<vmem_shared>>
    tpu.enqueue_dma source(%dma_start3A_83 : memref<6256xf32, #tpu.memory_space<vmem_shared>>) target(%arg11 : memref<6256xf32, #tpu.memory_space<vmem>>) target_semaphore(%arg18 : memref<!tpu.dma_semaphore, #tpu.memory_space<semaphore_mem>>)
    %dma_start3A_84 = arith.constant 0 : i32
    %dma_start3A_85 = tpu.memref_slice %arg10[%dma_start3A_84] : memref<10000xf32, #tpu.memory_space<vmem>> -> memref<6256xf32, #tpu.memory_space<vmem>>
    %dma_start3A_86 = tpu.memref_slice %arg13[%mul3A_76] : memref<100096xf32, #tpu.memory_space<vmem_shared>> -> memref<6256xf32, #tpu.memory_space<vmem_shared>>
    %dma_start3A_87 = arith.constant 0 : i32
    %dma_start3A_88 = tpu.memref_slice %arg10[%dma_start3A_87] : memref<10000xf32, #tpu.memory_space<vmem>> -> memref<6256xf32, #tpu.memory_space<vmem>>
    %dma_start3A_89 = tpu.memref_slice %arg13[%mul3A_76] : memref<100096xf32, #tpu.memory_space<vmem_shared>> -> memref<6256xf32, #tpu.memory_space<vmem_shared>>
    tpu.enqueue_dma source(%dma_start3A_89 : memref<6256xf32, #tpu.memory_space<vmem_shared>>) target(%dma_start3A_88 : memref<6256xf32, #tpu.memory_space<vmem>>) target_semaphore(%arg19 : memref<!tpu.dma_semaphore, #tpu.memory_space<semaphore_mem>>)
    %dma_wait3A_90 = tpu.memref_slice %arg12[%mul3A_76] : memref<100096xf32, #tpu.memory_space<vmem_shared>> -> memref<6256xf32, #tpu.memory_space<vmem_shared>>
    %dma_wait3A_91 = tpu.memref_slice %arg12[%mul3A_76] : memref<100096xf32, #tpu.memory_space<vmem_shared>> -> memref<6256xf32, #tpu.memory_space<vmem_shared>>
    tpu.wait_dma2 semaphore(%arg18 : memref<!tpu.dma_semaphore, #tpu.memory_space<semaphore_mem>>) src(%dma_wait3A_91 : memref<6256xf32, #tpu.memory_space<vmem_shared>>) dst(%arg11 : memref<6256xf32, #tpu.memory_space<vmem>>)
    %dma_wait3A_92 = arith.constant 0 : i32
    %dma_wait3A_93 = tpu.memref_slice %arg10[%dma_wait3A_92] : memref<10000xf32, #tpu.memory_space<vmem>> -> memref<6256xf32, #tpu.memory_space<vmem>>
    %dma_wait3A_94 = tpu.memref_slice %arg13[%mul3A_76] : memref<100096xf32, #tpu.memory_space<vmem_shared>> -> memref<6256xf32, #tpu.memory_space<vmem_shared>>
    %dma_wait3A_95 = arith.constant 0 : i32
    %dma_wait3A_96 = tpu.memref_slice %arg10[%dma_wait3A_95] : memref<10000xf32, #tpu.memory_space<vmem>> -> memref<6256xf32, #tpu.memory_space<vmem>>
    %dma_wait3A_97 = tpu.memref_slice %arg13[%mul3A_76] : memref<100096xf32, #tpu.memory_space<vmem_shared>> -> memref<6256xf32, #tpu.memory_space<vmem_shared>>
    tpu.wait_dma2 semaphore(%arg19 : memref<!tpu.dma_semaphore, #tpu.memory_space<semaphore_mem>>) src(%dma_wait3A_97 : memref<6256xf32, #tpu.memory_space<vmem_shared>>) dst(%dma_wait3A_96 : memref<6256xf32, #tpu.memory_space<vmem>>)
    %dma_start3A_98 = tpu.memref_slice %arg4[%add3A_81] : memref<200192xf32, #tpu.memory_space<hbm>> -> memref<6256xf32, #tpu.memory_space<hbm>>
    %dma_start3A_99 = tpu.memref_slice %arg4[%add3A_81] : memref<200192xf32, #tpu.memory_space<hbm>> -> memref<6256xf32, #tpu.memory_space<hbm>>
    tpu.enqueue_dma source(%arg11 : memref<6256xf32, #tpu.memory_space<vmem>>) target(%dma_start3A_99 : memref<6256xf32, #tpu.memory_space<hbm>>) target_semaphore(%arg18 : memref<!tpu.dma_semaphore, #tpu.memory_space<semaphore_mem>>)
    %dma_start3A_100 = arith.constant 0 : i32
    %dma_start3A_101 = tpu.memref_slice %arg10[%dma_start3A_100] : memref<10000xf32, #tpu.memory_space<vmem>> -> memref<6256xf32, #tpu.memory_space<vmem>>
    %dma_start3A_102 = tpu.memref_slice %arg5[%add3A_81] : memref<200192xf32, #tpu.memory_space<hbm>> -> memref<6256xf32, #tpu.memory_space<hbm>>
    %dma_start3A_103 = tpu.memref_slice %arg5[%add3A_81] : memref<200192xf32, #tpu.memory_space<hbm>> -> memref<6256xf32, #tpu.memory_space<hbm>>
    %dma_start3A_104 = arith.constant 0 : i32
    %dma_start3A_105 = tpu.memref_slice %arg10[%dma_start3A_104] : memref<10000xf32, #tpu.memory_space<vmem>> -> memref<6256xf32, #tpu.memory_space<vmem>>
    tpu.enqueue_dma source(%dma_start3A_105 : memref<6256xf32, #tpu.memory_space<vmem>>) target(%dma_start3A_103 : memref<6256xf32, #tpu.memory_space<hbm>>) target_semaphore(%arg19 : memref<!tpu.dma_semaphore, #tpu.memory_space<semaphore_mem>>)
    %dma_wait3A_106 = tpu.memref_slice %arg4[%add3A_81] : memref<200192xf32, #tpu.memory_space<hbm>> -> memref<6256xf32, #tpu.memory_space<hbm>>
    %dma_wait3A_107 = tpu.memref_slice %arg4[%add3A_81] : memref<200192xf32, #tpu.memory_space<hbm>> -> memref<6256xf32, #tpu.memory_space<hbm>>
    tpu.wait_dma2 semaphore(%arg18 : memref<!tpu.dma_semaphore, #tpu.memory_space<semaphore_mem>>) src(%arg11 : memref<6256xf32, #tpu.memory_space<vmem>>) dst(%dma_wait3A_107 : memref<6256xf32, #tpu.memory_space<hbm>>)
    %dma_wait3A_108 = arith.constant 0 : i32
    %dma_wait3A_109 = tpu.memref_slice %arg10[%dma_wait3A_108] : memref<10000xf32, #tpu.memory_space<vmem>> -> memref<6256xf32, #tpu.memory_space<vmem>>
    %dma_wait3A_110 = tpu.memref_slice %arg5[%add3A_81] : memref<200192xf32, #tpu.memory_space<hbm>> -> memref<6256xf32, #tpu.memory_space<hbm>>
    %dma_wait3A_111 = tpu.memref_slice %arg5[%add3A_81] : memref<200192xf32, #tpu.memory_space<hbm>> -> memref<6256xf32, #tpu.memory_space<hbm>>
    %dma_wait3A_112 = arith.constant 0 : i32
    %dma_wait3A_113 = tpu.memref_slice %arg10[%dma_wait3A_112] : memref<10000xf32, #tpu.memory_space<vmem>> -> memref<6256xf32, #tpu.memory_space<vmem>>
    tpu.wait_dma2 semaphore(%arg19 : memref<!tpu.dma_semaphore, #tpu.memory_space<semaphore_mem>>) src(%dma_wait3A_113 : memref<6256xf32, #tpu.memory_space<vmem>>) dst(%dma_wait3A_111 : memref<6256xf32, #tpu.memory_space<hbm>>)
    return
  }
}

module attributes {stable_mosaic.version = 14 : i64} {
  func.func @_combine_body(%arg0: memref<100000xf32, #tpu.memory_space<vmem>>, %arg1: memref<200192xf32, #tpu.memory_space<vmem>>, %arg2: memref<200192xf32, #tpu.memory_space<vmem>>, %arg3: memref<100000xf32, #tpu.memory_space<vmem>>) attributes {dimension_semantics = [], scalar_prefetch = 0 : i64, scratch_operands = 0 : i64, tpu.core_type = #tpu.core_type<tc>} {
    %get3A = arith.constant 0 : index
    %get3A_0 = vector.load %arg1[%get3A] : memref<200192xf32, #tpu.memory_space<vmem>>, vector<100000xf32>
    %get3A_1 = arith.constant 100096 : index
    %get3A_2 = vector.load %arg1[%get3A_1] : memref<200192xf32, #tpu.memory_space<vmem>>, vector<100000xf32>
    %add3A = arith.addf %get3A_0, %get3A_2 : vector<100000xf32>
    %get3A_3 = arith.constant 0 : index
    %get3A_4 = vector.load %arg2[%get3A_3] : memref<200192xf32, #tpu.memory_space<vmem>>, vector<100000xf32>
    %get3A_5 = arith.constant 100096 : index
    %get3A_6 = vector.load %arg2[%get3A_5] : memref<200192xf32, #tpu.memory_space<vmem>>, vector<100000xf32>
    %add3A_7 = arith.addf %get3A_4, %get3A_6 : vector<100000xf32>
    %get3A_8 = arith.constant 0 : index
    %get3A_9 = vector.load %arg0[%get3A_8] : memref<100000xf32, #tpu.memory_space<vmem>>, vector<100000xf32>
    %max3A = arith.constant 1.000000e+00 : f32
    %max3A_10 = vector.broadcast %max3A : f32 to vector<100000xf32>
    %max3A_11 = arith.maximumf %add3A_7, %max3A_10 : vector<100000xf32>
    %div3A = arith.divf %add3A, %max3A_11 : vector<100000xf32>
    %add3A_12 = arith.addf %get3A_9, %div3A : vector<100000xf32>
    %swap3A = arith.constant 0 : index
    %swap3A_13 = vector.load %arg3[%swap3A] : memref<100000xf32, #tpu.memory_space<vmem>>, vector<100000xf32>
    tpu.vector_store %arg3[%swap3A], %add3A_12 {strides = array<i32>} : memref<100000xf32, #tpu.memory_space<vmem>>, vector<100000xf32>,
    return
  }
}

</mosaic_0001>

<sc_bundles>
// kernel: kernel.4.cloned.1.call-start
scs
__scs_entry_jumppad:
0x0: {  	(pc) =	sbr.rel $0x88, $3  }
0x1: {  	(tag) =	ssettag $0x0;
	lr =	simm.s32 $0x1  }
0x2: {  	[smem:$0x3F9E] =	sst lr;
	_ =	strace $0xD0000000  }
0x3: {  	_ = 	snop  }
0x4: {  	_ = 	snop  }
0x5: {  	_ = 	snop  }
0x6: {  	_ = 	snop  }
0x7: {  	_ = 	snop  }
__scs_overlays_trampoline_lowered:
0x8: {  	[smem:$0x3FAD] =	sst s0  }
0x9: {  	[smem:$0x3FAE] =	sst s1  }
0xa: {  	[smem:$0x3FAF] =	sst s2  }
0xb: {  	[smem:$0x3FB0] =	sst s3  }
0xc: {  	[smem:$0x3FB1] =	sst s4  }
0xd: {  	[smem:$0x3FB2] =	sst s5  }
0xe: {  	[smem:$0x3FB3] =	sst s6  }
0xf: {  	[smem:$0x3FB4] =	sst s7  }
0x10: {  	[smem:$0x3FB5] =	sst s8  }
0x11: {  	[smem:$0x3FB6] =	sst s9;
	s0 =	simm.s32 @!p0 $0x0  }
0x12: {  	s1 =	sld [smem:$0x3F9C];
	s0 =	simm.s32 @p0 $0x1  }
0x13: {  	[smem:$0x3FB7] =	sst s0;
	s0 =	simm.s32 @!p1 $0x0  }
0x14: {  	s2 =	sld [smem:$0x3F9B];
	s0 =	simm.s32 @p1 $0x1  }
0x15: {  	[smem:$0x3FB8] =	sst s0;
	s0 =	simm.s32 @!p2 $0x0  }
0x16: {  	s3 =	sld [smem:$0x3FDB];
	s0 =	simm.s32 @p2 $0x1  }
0x17: {  	s4 =	simm.s32 $0x1BF5;
	[smem:$0x3FBA] =	sst s0  }
0x18: {  	s0 =	sld [smem:$0x3F9D];
	_ =	swait.ge [sflag:s4], $0x0  }
0x19: {  	s7 =	sld [smem:$0x3F9E]  }
0x1a: {  	s8 =	sadd.s32 $0xFFFFE003, lr  }
0x1b: {  	s9 =	sadd.s32 $0xFFFFFEF7, lr;
	s5 =	simm.s32 $0xFFFFFFFF;
	p2 =	slt.u32 s8, $0xFFFFF086  }
0x1c: {  	p1 =	slt.u32 s9, $0xF7A;
	s5 =	simm.s32 @!p2 $0x0  }
0x1d: {  	s5 =	simm.s32 @p1 $0x1;
	p0 =	seq.s32 s7, s2  }
0x1e: {  	s7 =	smul.u32 @!p0 $0xF7A, s2;
	p2 =	seq.s32 @!p0 s5, $0x0  }
0x1f: {  	s9 =	smul.u32 $0xF7A, s1;
	s8 =	simm.s32 @!p0 $0x1BF5;
	p2 =	por !p2, p0  }
0x20: {  	[sflag:s8] =	ssyncset.s32 @!p0 $0xFFFFF086;
	s6 =	sadd.s32 @!p0 s3, s7;
	s7 =	simm.s32 @!p0 $0x108  }
0x21: {  	s3 =	sadd.s32 s3, s9;
	s6 =	sadd.s32 @!p0 $0x88, s6;
	s7 =	simm.s32 @p2 $0x1082  }
0x22: {  	[simem:s7], [sflag:s8] =	dma.local @!p0 [hbm:s6], $0xF7A  }
0x23: {  	s9 =	sor.u32 $0xD0000000, s2;
	s6 =	simm.s32 $0x108;
	_ =	swait.ge @!p0 [sflag:s8], $0x0  }
0x24: {  	s3 =	sadd.s32 $0x88, s3;
	s6 =	simm.s32 @!p1 $0x1082;
	[sflag:s4] =	ssyncset.s32 $0xFFFFF086  }
0x25: {  	[simem:s6], [sflag:s4] =	dma.local [hbm:s3], $0xF7A  }
0x26: {  	[smem:$0x3F9E] =	sst s1;
	(tag) =	ssettag s2;
	_ =	strace s9  }
0x27: {  	s1 =	sld [smem:$0x3FAE]  }
0x28: {  	s2 =	sld [smem:$0x3FAF]  }
0x29: {  	s4 =	sld [smem:$0x3FB1]  }
0x2a: {  	p0 =	seq.s32 s5, $0x0;
	s5 =	sld [smem:$0x3FB2]  }
0x2b: {  	s6 =	sld [smem:$0x3FB3]  }
0x2c: {  	s7 =	sld [smem:$0x3FB4]  }
0x2d: {  	s3 =	simm.s32 $0x108;
	s8 =	sld [smem:$0x3FB5]  }
0x2e: {  	s3 =	simm.s32 @!p0 $0x1082;
	s9 =	sld [smem:$0x3FB6]  }
0x2f: {  	lr =	sadd.s32 s0, s3;
	s0 =	sld [smem:$0x3FAD]  }
0x30: {  	s3 =	sld [smem:$0x3FB0]  }
0x31: {  	[smem:$0x3FB9] =	sst s10  }
0x32: {  	s10 =	sld [smem:$0x3FB7];
	_ =	sdelay $0x3  }
0x33: {  	p0 =	seq.s32 s10, $0x1;
	s10 =	sld [smem:$0x3FB9];
	_ =	sdelay $0x3  }
0x34: {  	[smem:$0x3FB9] =	sst s10  }
0x35: {  	s10 =	sld [smem:$0x3FB8];
	_ =	sdelay $0x3  }
0x36: {  	p1 =	seq.s32 s10, $0x1;
	s10 =	sld [smem:$0x3FB9];
	_ =	sdelay $0x3  }
0x37: {  	[smem:$0x3FB9] =	sst s10  }
0x38: {  	s10 =	sld [smem:$0x3FBA]  }
0x39: {  	_ = 	snop;
	(pc) =	sbr.ind lr, $3  }
0x3a: {  	_ = 	snop  }
0x3b: {  	_ = 	snop  }
0x3c: {  	p2 =	seq.s32 s10, $0x1;
	s10 =	sld [smem:$0x3FB9]  }
0x3d: {  	_ =	shalt  }
0x3e: {  	_ =	shalt  }
0x3f: {  	_ =	shalt  }
0x40: {  	_ =	shalt  }
0x41: {  	_ =	shalt  }
0x42: {  	_ =	shalt  }
0x43: {  	_ =	shalt  }
0x44: {  	_ =	shalt  }
0x45: {  	_ =	shalt  }
0x46: {  	_ =	shalt  }
0x47: {  	_ =	shalt  }
0x48: {  	_ =	shalt  }
0x49: {  	_ =	shalt  }
0x4a: {  	_ =	shalt  }
0x4b: {  	_ =	shalt  }
0x4c: {  	_ =	shalt  }
0x4d: {  	_ =	shalt  }
0x4e: {  	_ =	shalt  }
0x4f: {  	_ =	shalt  }
0x50: {  	_ =	shalt  }
0x51: {  	_ =	shalt  }
0x52: {  	_ =	shalt  }
0x53: {  	_ =	shalt  }
0x54: {  	_ =	shalt  }
0x55: {  	_ =	shalt  }
0x56: {  	_ =	shalt  }
0x57: {  	_ =	shalt  }
0x58: {  	_ =	shalt  }
0x59: {  	_ =	shalt  }
0x5a: {  	_ =	shalt  }
0x5b: {  	_ =	shalt  }
0x5c: {  	_ =	shalt  }
0x5d: {  	_ =	shalt  }
0x5e: {  	_ =	shalt  }
0x5f: {  	_ =	shalt  }
0x60: {  	_ =	shalt  }
0x61: {  	_ =	shalt  }
0x62: {  	_ =	shalt  }
0x63: {  	_ =	shalt  }
0x64: {  	_ =	shalt  }
0x65: {  	_ =	shalt  }
0x66: {  	_ =	shalt  }
0x67: {  	_ =	shalt  }
0x68: {  	_ =	shalt  }
0x69: {  	_ =	shalt  }
0x6a: {  	_ =	shalt  }
0x6b: {  	_ =	shalt  }
0x6c: {  	_ =	shalt  }
0x6d: {  	_ =	shalt  }
0x6e: {  	_ =	shalt  }
0x6f: {  	_ =	shalt  }
0x70: {  	_ =	shalt  }
0x71: {  	_ =	shalt  }
0x72: {  	_ =	shalt  }
0x73: {  	_ =	shalt  }
0x74: {  	_ =	shalt  }
0x75: {  	_ =	shalt  }
0x76: {  	_ =	shalt  }
0x77: {  	_ =	shalt  }
0x78: {  	_ =	shalt  }
0x79: {  	_ =	shalt  }
0x7a: {  	_ =	shalt  }
0x7b: {  	_ =	shalt  }
0x7c: {  	_ =	shalt  }
0x7d: {  	_ =	shalt  }
0x7e: {  	_ =	shalt  }
0x7f: {  	_ =	shalt  }
0x80: {  	_ =	shalt  }
0x81: {  	_ =	shalt  }
0x82: {  	_ =	shalt  }
0x83: {  	_ =	shalt  }
0x84: {  	_ =	shalt  }
0x85: {  	_ =	shalt  }
0x86: {  	_ =	shalt  }
0x87: {  	_ =	shalt  }
.Lfunc_end0:
.L_simem_size_0:
called_computation_lowered:
.L_overlay_start_0:
0x88: {  	s2 =	sld [smem:$0x3FD9]  }
0x89: {  	s3 =	sld [smem:$0x3FFE];
	_ =	sdelay $0x1  }
0x8a: {  	s1 =	srdreg.scid  }
0x8b: {  	s0 =	sand.u32 $0x1, s1  }
0x8c: {  	s17 =	sshll.u32 s0, $0xA;
	s2 =	sadd.s32 s3, s2  }
0x8d: {  	s2 =	sadd.s32 s2, s17  }
0x8e: {  	[smem:$0x3FC5] =	sst s2  }
0x8f: {  	_ = 	snop  }
0x90: {  	s2 =	sld [smem:$0x3FC8]  }
0x91: {  	s18 =	sld [smem:$0x3FC7];
	(tm) =	ssettm $0x1  }
0x92: {  	s4 =	sld [smem:$0x3FFB];
	_ =	sdelay $0x3  }
0x93: {  	_ =	strace s4  }
0x94: {  	s4 =	sld [smem:$0x3FFC];
	_ =	sdelay $0x3  }
0x95: {  	_ =	strace s4  }
0x96: {  	s4 =	sld [smem:$0x3FFD];
	_ =	sdelay $0x3  }
0x97: {  	_ =	strace s4  }
0x98: {  	_ =	strace $0x8FFFFFFF  }
0x99: {  	s19 =	sld [smem:$0x3FDB];
	_ =	sdelay $0x1  }
0x9a: {  	s5 =	simm.s32 $_scs_section_size  }
0x9b: {  	s6 =	simm.s32 $_size__tile_overlayer_lowered;
	s7 =	simm.s32 $_tile_overlayer_lowered  }
0x9c: {  	s22 =	simm.s32 $0x1BFF;
	s21 =	sshll.u32 s7, $0x1;
	s4 =	sadd.s32 s5, s19  }
0x9d: {  	s8 =	simm.s32 $0x0;
	s20 =	sshll.u32 s6, $0x1;
	s6 =	sadd.s32 s21, s4  }
0x9e: {  	[timem:s8], [sflag:s22] =	dma.local [hbm:s6], s20  }
0x9f: {  	_ =	swait.ge [sflag:s22], s20  }
0xa0: {  	s5 =	ssub.s32 $0x0, s20;
	[sflag:s22] =	ssyncset.done $0x0  }
0xa1: {  	[sflag:s22] =	ssyncadd.s32 s5;
	_ =	sdelay $0x1  }
0xa2: {  	s23 =	simm.s32 $0x1B8B  }
0xa3: {  	_ =	swait.ge [sflag:s23], $0x1  }
0xa4: {  	[sflag:s23] =	ssyncset.done $0x0  }
0xa5: {  	s25 =	simm.s32 $0x1B8E;
	s24 =	sld [smem:$0x3FFE];
	[sflag:s23] =	ssyncadd.s32 $0xFFFFFFFF  }
0xa6: {  	s26 =	simm.s32 $execute0_lowered;
	[smem:$0x3FD2] =	sst s25  }
0xa7: {  	s6 =	sshll.u32 s26, $0x1;
	_ =	strace $0x80000046;
	[dreg:$0x1] =	wrdreg $0xFFFFFFFF  }
0xa8: {  	s28 =	simm.s32 $_size_execute0_lowered;
	s4 =	sadd.s32 s4, s6;
	[dreg:$0x0] =	wrdreg $0x0  }
0xa9: {  	s6 =	sshll.u32 s28, $0x1;
	[dreg:$0x2] =	wrdreg s4  }
0xaa: {  	[dreg:$0x3] =	wrdreg s6  }
0xab: {  	[dreg:$0x4] =	wrdreg $0xC0  }
0xac: {  	_ =	task [dreg:s8], $0x5FFFF  }
0xad: {  	[dreg:$0x1] =	wrdreg $0xFFFFFFFF  }
0xae: {  	[dreg:$0x0] =	wrdreg $0x60  }
0xaf: {  	[dreg:$0x2] =	wrdreg s18  }
0xb0: {  	[dreg:$0x3] =	wrdreg s2  }
0xb1: {  	[dreg:$0x4] =	wrdreg s24  }
0xb2: {  	[dreg:$0x5] =	wrdreg $0xDE000  }
0xb3: {  	[dreg:$0x6] =	wrdreg $0xF6700  }
0xb4: {  	[dreg:$0x7] =	wrdreg $0x9  }
0xb5: {  	_ =	task.clear_ibuf [dreg:s8], $0x8FFFF;
	_ =	strace $0x90000046  }
0xb6: {  	s29 =	simm.s32 $0x9;
	_ =	strace $0x80000048  }
0xb7: {  	_ =	swait.ge [sflag:s29], $0x1  }
0xb8: {  	[sflag:s29] =	ssyncadd.s32 $0xFFFFFFFF  }
0xb9: {  	_ =	strace $0x90000048  }
0xba: {  	_ =	sfence  }
0xbb: {  	s30 =	sld [smem:$0x0];
	_ =	sdelay $0x2  }
0xbc: {  	s31 =	sshll.u32 s1, $0xD;
	s1 =	sshrl.u32 s1, $0x2  }
0xbd: {  	s3 =	sand.u32 $0x4000, s31;
	s1 =	sadd.s32 s1, s30  }
0xbe: {  	s0 =	sor.u32 s3, s0;
	s1 =	sshll.u32 s1, $0x11  }
0xbf: {  	s0 =	sor.u32 s1, s0  }
0xc0: {  	s0 =	sadd.s32 $0x8F2B, s0  }
0xc1: {  	[sflag:s0] =	ssyncadd.remote.s32 $0x1  }
0xc2: {  	_ =	sfence.sel $0xFFFF  }
0xc3: {  	[dreg:$0x0] =	wrdreg $0xFFFFFFFF;
	(pc) =	sbr.abs _section_cstart, $3  }
0xc4: {  	[dreg:$0x1] =	wrdreg $0xFFFFFFFF  }
0xc5: {  	_ =	task.clear_ibuf [dreg:s8], $0x2FFFF;
	_ =	strace $0x9FFFFFFF  }
0xc6: {  	(tm) =	ssettm $0x7FFFFFFF  }
0xc7: {  	_ =	shalt  }
tec
execute0_lowered:
.L_overlay_start_1:
0x0: {  	(tag) =	ssettag $0x1  }
0x1: {  	s0 =	rddreg [dreg:$0x0]  }
0x2: {  	s1 =	rddreg [dreg:$0x1]  }
0x3: {  	s5 =	rddreg [dreg:$0x2]  }
0x4: {  	s2 =	rddreg [dreg:$0x3]  }
0x5: {  	s3 =	rddreg [dreg:$0x4]  }
0x6: {  	s4 =	srdreg.scid;
	s10 =	stileid.u32;
	s20 =	simm.s32 $0x4F00  }
0x7: {  	s28 =	simm.s32 $0x3;
	s29 =	simm.s32 $0x2710;
	s30 =	simm.s32 $0x7  }
0x8: {  	s31 =	simm.s32 $0x9E00;
	s6 =	sand.u32 $0x1, s4;
	s7 =	smul.u32 $0x1870, s10  }
0x9: {  	s4 =	simm.s32 $0x0;
	s8 =	smul.u32 $0x18700, s6;
	s9 =	sshll.u32 s6, $0x4  }
0xa: {  	[smem:$0x7FF] =	sst s4;
	s6 =	ssub.s32 $0x2, s6;
	s9 =	sor.u32 s10, s9  }
0xb: {  	_ =	strace $0x80000047;
	s21 =	sshrl.u32 s6, $0x1;
	s10 =	sadd.s32 s7, s3  }
0xc: {  	s8 =	sadd.s32 s7, s8;
	s9 =	smul.u32 $0xC350, s9;
	s6 =	ssub.s32 s6, s21  }
0xd: {  	s21 =	simm.s32 $0x2780;
	s8 =	sshrl.u32 s8, $0x3;
	s19 =	smax.u32 s6, $0x1  }
0xe: {  	s5 =	sadd.s32 s8, s5;
	s13 =	sshrl.u32 s9, $0x3;
	s9 =	sadd.s32 s7, s2  }
0xf: {  	s22 =	sadd.s32 s0, s13;
	s23 =	sadd.s32 s1, s13;
	s24 =	sadd.s32 $0x4E2, s13  }
0x10: {  	s12 =	sadd.s32 $0x9C4, s13;
	s26 =	sadd.s32 $0xEA6, s13;
	s16 =	sadd.s32 $0x1388, s13  }
0x11: {  	s17 =	sadd.s32 $0xE00, s5;
	s18 =	sadd.s32 $0x7000, s5;
	[dreg:$0x6] =	wrdreg s22  }
0x12: {  	s5 =	simm.s32 $0x0;
	[dreg:$0x7] =	wrdreg s23;
	s25 =	sadd.s32 s0, s24  }
0x13: {  	s8 =	sadd.s32 s1, s24;
	s11 =	sadd.s32 s0, s12;
	s12 =	sadd.s32 s1, s12  }
0x14: {  	s13 =	sadd.s32 s0, s26;
	s14 =	sadd.s32 s1, s26;
	s15 =	sadd.s32 s0, s16  }
0x15: {  	s16 =	sadd.s32 s1, s16;
	s22 =	simm.s32 $0x7680;
	s23 =	simm.s32 $0xC580  }
0x16: {  	s24 =	simm.s32 $0x5;
	s26 =	simm.s32 $0x1;
	s0 =	simm.s32 $0x2  }
0x17: {  	v0 =	vimm.f32 $0.0e+00;
	v1 =	vimm.f32 $1.000000000e+00;
	s1 =	simm.s32 $0x4;
	[dreg:$0x8] =	wrdreg s25;
	s25 =	simm.s32 $0x6  }
.LBB2_1:
0x18: {  	s6 =	rddreg [dreg:$0x6]  }
0x19: {  	[tilespmem:s4], [sflag:$0x1] =	stream.linear.gather [hbm4b:s6+s4], $0x2710, $0x38;
	[tilespmem:$0x10EE0] =	vst v63  }
0x1a: {  	s7 =	rddreg [dreg:$0x7]  }
0x1b: {  	[tilespmem:s20], [sflag:$0x3] =	stream.linear.gather [hbm4b:s7+s4], $0x2710, $0x38;
	[tilespmem:$0x10EE0] =	vst v63  }
0x1c: {  	s7 =	rddreg [dreg:$0x8]  }
0x1d: {  	[tilespmem:s21], [sflag:$0x2] =	stream.linear.gather [hbm4b:s7+s4], $0x2710, $0x38;
	[tilespmem:$0x10EE0] =	vst v63  }
0x1e: {  	s6 =	simm.s32 $0x40;
	s7 =	simm.s32 $0x0  }
0x1f: {  	[tilespmem:s22], [sflag:$0x4] =	stream.linear.gather [hbm4b:s8+s4], $0x2710, $0x38;
	[tilespmem:$0x10EE0] =	vst v63  }
.LBB2_2:
0x20: {  	p0 =	sne.s32 s6, $0x6180;
	[tilespmem:s7+$0xC580] =	vst v0;
	s7 =	smov.u32 s6;
	s6 =	sadd.s32 $0x40, s6  }
.Ltmp0:
0x21: {  	(pc) =	sbr.rel @p0 .LBB2_2-.Ltmp0, $2  }
0x22: {  	_ =	sdelay $0x2  }
0x23: {  	s7 =	sshra.s32 s7, $0x2  }
0x24: {  	[tilespmem:s7+$0xC580] =	vst v0  }
0x25: {  	[spmem:s9] =	stream.linear.scatter [tilespmem:s23], [sflag:$0x5], $0x1870, $0x38;
	[tilespmem:$0x10EE0] =	vst v63  }
0x26: {  	s6 =	simm.s32 $0x40;
	s7 =	simm.s32 $0x0  }
0x27: {  	[spmem:s10] =	stream.linear.scatter [tilespmem:s23], [sflag:$0x6], $0x1870, $0x38;
	[tilespmem:$0x10EE0] =	vst v63  }
.LBB2_4:
0x28: {  	p0 =	sne.s32 s6, $0x9C00;
	[tilespmem:s7+$0x9E00] =	vst v1;
	s7 =	smov.u32 s6;
	s6 =	sadd.s32 $0x40, s6  }
.Ltmp1:
0x29: {  	(pc) =	sbr.rel @p0 .LBB2_4-.Ltmp1, $2  }
0x2a: {  	_ =	sdelay $0x2  }
0x2b: {  	s7 =	sshra.s32 s7, $0x2  }
0x2c: {  	[tilespmem:s7+$0x9E00] =	vst v1  }
0x2d: {  	_ =	swait.ge [sflag:s24], $0x1870  }
0x2e: {  	[sflag:s24] =	ssyncset.done $0x0  }
0x2f: {  	[sflag:s24] =	ssyncadd.s32 $0xFFFFE790  }
0x30: {  	_ =	swait.ge [sflag:s25], $0x1870  }
0x31: {  	[sflag:s25] =	ssyncset.done $0x0  }
0x32: {  	[sflag:s25] =	ssyncadd.s32 $0xFFFFE790  }
0x33: {  	[bflag:$0x0] =	sbarrier.arrive $0xFFFF  }
0x34: {  	_ =	swait.ge [sflag:s26], $0x2710  }
0x35: {  	[sflag:s26] =	ssyncset.done $0x0  }
0x36: {  	[sflag:s26] =	ssyncadd.s32 $0xFFFFD8F0  }
0x37: {  	_ =	swait.ge [sflag:s28], $0x2710  }
0x38: {  	[sflag:s28] =	ssyncset.done $0x0  }
0x39: {  	[sflag:s28] =	ssyncadd.s32 $0xFFFFD8F0  }
0x3a: {  	[spmem:s2] =	stream.indirect.scatter.add.f32 [tilespmem:s20], [sflag:$0x7], $0x1, s4, s29, $0xb8;
	[tilespmem:$0x10EE0] =	vst v63  }
0x3b: {  	_ =	swait.ge [sflag:s30], $0x2710  }
0x3c: {  	[sflag:s30] =	ssyncset.done $0x0  }
0x3d: {  	[sflag:s30] =	ssyncadd.s32 $0xFFFFD8F0  }
0x3e: {  	[spmem:s3] =	stream.indirect.scatter.add.f32 [tilespmem:s31], [sflag:$0x7], $0x1, s4, s29, $0xb8;
	[tilespmem:$0x10EE0] =	vst v63  }
0x3f: {  	_ =	swait.ge [sflag:s30], $0x2710  }
0x40: {  	[sflag:s30] =	ssyncset.done $0x0  }
0x41: {  	[sflag:s30] =	ssyncadd.s32 $0xFFFFD8F0  }
0x42: {  	[tilespmem:s4], [sflag:$0x1] =	stream.linear.gather [hbm4b:s11+s4], $0x2710, $0x38;
	[tilespmem:$0x10EE0] =	vst v63  }
0x43: {  	_ = 	snop  }
0x44: {  	[tilespmem:s20], [sflag:$0x3] =	stream.linear.gather [hbm4b:s12+s4], $0x2710, $0x38;
	[tilespmem:$0x10EE0] =	vst v63  }
0x45: {  	_ =	swait.ge [sflag:s0], $0x2710  }
0x46: {  	[sflag:s0] =	ssyncset.done $0x0  }
0x47: {  	[sflag:s0] =	ssyncadd.s32 $0xFFFFD8F0  }
0x48: {  	_ =	swait.ge [sflag:s1], $0x2710  }
0x49: {  	[sflag:s1] =	ssyncset.done $0x0  }
0x4a: {  	[sflag:s1] =	ssyncadd.s32 $0xFFFFD8F0  }
0x4b: {  	[spmem:s2] =	stream.indirect.scatter.add.f32 [tilespmem:s22], [sflag:$0x7], $0x1, s21, s29, $0xb8;
	[tilespmem:$0x10EE0] =	vst v63  }
0x4c: {  	_ =	swait.ge [sflag:s30], $0x2710  }
0x4d: {  	[sflag:s30] =	ssyncset.done $0x0  }
0x4e: {  	[sflag:s30] =	ssyncadd.s32 $0xFFFFD8F0  }
0x4f: {  	[spmem:s3] =	stream.indirect.scatter.add.f32 [tilespmem:s31], [sflag:$0x7], $0x1, s21, s29, $0xb8;
	[tilespmem:$0x10EE0] =	vst v63  }
0x50: {  	_ =	swait.ge [sflag:s30], $0x2710  }
0x51: {  	[sflag:s30] =	ssyncset.done $0x0  }
0x52: {  	[sflag:s30] =	ssyncadd.s32 $0xFFFFD8F0  }
0x53: {  	[tilespmem:s21], [sflag:$0x2] =	stream.linear.gather [hbm4b:s13+s4], $0x2710, $0x38;
	[tilespmem:$0x10EE0] =	vst v63  }
0x54: {  	_ = 	snop  }
0x55: {  	[tilespmem:s22], [sflag:$0x4] =	stream.linear.gather [hbm4b:s14+s4], $0x2710, $0x38;
	[tilespmem:$0x10EE0] =	vst v63  }
0x56: {  	_ =	swait.ge [sflag:s26], $0x2710  }
0x57: {  	[sflag:s26] =	ssyncset.done $0x0  }
0x58: {  	[sflag:s26] =	ssyncadd.s32 $0xFFFFD8F0  }
0x59: {  	_ =	swait.ge [sflag:s28], $0x2710  }
0x5a: {  	[sflag:s28] =	ssyncset.done $0x0  }
0x5b: {  	[sflag:s28] =	ssyncadd.s32 $0xFFFFD8F0  }
0x5c: {  	[spmem:s2] =	stream.indirect.scatter.add.f32 [tilespmem:s20], [sflag:$0x7], $0x1, s4, s29, $0xb8;
	[tilespmem:$0x10EE0] =	vst v63  }
0x5d: {  	_ =	swait.ge [sflag:s30], $0x2710  }
0x5e: {  	[sflag:s30] =	ssyncset.done $0x0  }
0x5f: {  	[sflag:s30] =	ssyncadd.s32 $0xFFFFD8F0  }
0x60: {  	[spmem:s3] =	stream.indirect.scatter.add.f32 [tilespmem:s31], [sflag:$0x7], $0x1, s4, s29, $0xb8;
	[tilespmem:$0x10EE0] =	vst v63  }
0x61: {  	_ =	swait.ge [sflag:s30], $0x2710  }
0x62: {  	[sflag:s30] =	ssyncset.done $0x0  }
0x63: {  	[sflag:s30] =	ssyncadd.s32 $0xFFFFD8F0  }
0x64: {  	[tilespmem:s4], [sflag:$0x1] =	stream.linear.gather [hbm4b:s15+s4], $0x2710, $0x38;
	[tilespmem:$0x10EE0] =	vst v63  }
0x65: {  	_ = 	snop  }
0x66: {  	[tilespmem:s20], [sflag:$0x3] =	stream.linear.gather [hbm4b:s16+s4], $0x2710, $0x38;
	[tilespmem:$0x10EE0] =	vst v63  }
0x67: {  	_ =	swait.ge [sflag:s0], $0x2710  }
0x68: {  	[sflag:s0] =	ssyncset.done $0x0  }
0x69: {  	[sflag:s0] =	ssyncadd.s32 $0xFFFFD8F0  }
0x6a: {  	_ =	swait.ge [sflag:s1], $0x2710  }
0x6b: {  	[sflag:s1] =	ssyncset.done $0x0  }
0x6c: {  	[sflag:s1] =	ssyncadd.s32 $0xFFFFD8F0  }
0x6d: {  	[spmem:s2] =	stream.indirect.scatter.add.f32 [tilespmem:s22], [sflag:$0x7], $0x1, s21, s29, $0xb8;
	[tilespmem:$0x10EE0] =	vst v63  }
0x6e: {  	_ =	swait.ge [sflag:s30], $0x2710  }
0x6f: {  	[sflag:s30] =	ssyncset.done $0x0  }
0x70: {  	[sflag:s30] =	ssyncadd.s32 $0xFFFFD8F0  }
0x71: {  	[spmem:s3] =	stream.indirect.scatter.add.f32 [tilespmem:s31], [sflag:$0x7], $0x1, s21, s29, $0xb8;
	[tilespmem:$0x10EE0] =	vst v63  }
0x72: {  	_ =	swait.ge [sflag:s30], $0x2710  }
0x73: {  	[sflag:s30] =	ssyncset.done $0x0  }
0x74: {  	[sflag:s30] =	ssyncadd.s32 $0xFFFFD8F0  }
0x75: {  	_ =	swait.ge [sflag:s26], $0x2710  }
0x76: {  	[sflag:s26] =	ssyncset.done $0x0  }
0x77: {  	[sflag:s26] =	ssyncadd.s32 $0xFFFFD8F0  }
0x78: {  	_ =	swait.ge [sflag:s28], $0x2710  }
0x79: {  	[sflag:s28] =	ssyncset.done $0x0  }
0x7a: {  	[sflag:s28] =	ssyncadd.s32 $0xFFFFD8F0  }
0x7b: {  	[spmem:s2] =	stream.indirect.scatter.add.f32 [tilespmem:s20], [sflag:$0x7], $0x1, s4, s29, $0xb8;
	[tilespmem:$0x10EE0] =	vst v63  }
0x7c: {  	_ =	swait.ge [sflag:s30], $0x2710  }
0x7d: {  	[sflag:s30] =	ssyncset.done $0x0  }
0x7e: {  	[sflag:s30] =	ssyncadd.s32 $0xFFFFD8F0  }
0x7f: {  	[spmem:s3] =	stream.indirect.scatter.add.f32 [tilespmem:s31], [sflag:$0x7], $0x1, s4, s29, $0xb8;
	[tilespmem:$0x10EE0] =	vst v63  }
0x80: {  	_ =	swait.ge [sflag:s30], $0x2710  }
0x81: {  	[sflag:s30] =	ssyncset.done $0x0  }
0x82: {  	[sflag:s30] =	ssyncadd.s32 $0xFFFFD8F0  }
0x83: {  	[bflag:$0x0] =	sbarrier.arrive $0xFFFF  }
0x84: {  	[tilespmem:s23], [sflag:$0x5] =	stream.linear.gather [spmem:s9], $0x1870, $0x38;
	[tilespmem:$0x10EE0] =	vst v63  }
0x85: {  	_ = 	snop  }
0x86: {  	[tilespmem:s31], [sflag:$0x6] =	stream.linear.gather [spmem:s10], $0x1870, $0x38;
	[tilespmem:$0x10EE0] =	vst v63  }
0x87: {  	_ =	swait.ge [sflag:s24], $0x1870  }
0x88: {  	[sflag:s24] =	ssyncset.done $0x0  }
0x89: {  	[sflag:s24] =	ssyncadd.s32 $0xFFFFE790  }
0x8a: {  	_ =	swait.ge [sflag:s25], $0x1870  }
0x8b: {  	[sflag:s25] =	ssyncset.done $0x0  }
0x8c: {  	[sflag:s25] =	ssyncadd.s32 $0xFFFFE790  }
0x8d: {  	[hbm4b:s17+s4] =	stream.linear.scatter [tilespmem:s23], [sflag:$0x5], $0x1870, $0x38;
	[tilespmem:$0x10EE0] =	vst v63  }
0x8e: {  	s5 =	sadd.s32 $0x1, s5  }
0x8f: {  	[hbm4b:s18+s4] =	stream.linear.scatter [tilespmem:s31], [sflag:$0x6], $0x1870, $0x38;
	[tilespmem:$0x10EE0] =	vst v63  }
0x90: {  	p0 =	sne.s32 s5, s19;
	_ =	swait.ge [sflag:s24], $0x1870  }
.Ltmp2:
0x91: {  	[sflag:s24] =	ssyncset.done $0x0;
	(pc) =	sbr.rel @p0 .LBB2_1-.Ltmp2, $4  }
0x92: {  	[sflag:s24] =	ssyncadd.s32 $0xFFFFE790  }
0x93: {  	_ =	swait.ge [sflag:s25], $0x1870  }
0x94: {  	[sflag:s25] =	ssyncset.done $0x0  }
0x95: {  	[sflag:s25] =	ssyncadd.s32 $0xFFFFE790  }
0x96: {  	_ =	sfence.sel $0x180000  }
0x97: {  	[bflag:$0x0] =	sbarrier.arrive $0xFFFF  }
0x98: {  	_ =	strace $0x90000047  }
0x99: {  	s0 =	stileid.u32;
	[bflag:$0x2] =	sbarrier.arrive $0xFFFF  }
0x9a: {  	p0 =	sne.s32 s0, $0x0;
	s0 =	rddreg [dreg:$0x5]  }
0x9b: {  	s0 =	sadd.s32 @!p0 $0x100000, s0  }
0x9c: {  	[sflag:s0] =	ssyncadd.tile.s32 @!p0 $0x1;
	_ =	shalt  }
.Lfunc_end2:
_tile_overlayer_lowered:
.L_overlay_start_2:
0x9d: {  	(tag) =	ssettag $0x2  }
0x9e: {  	s0 =	rddreg [dreg:$0x0];
	s2 =	stileid.u32  }
0x9f: {  	s1 =	rddreg [dreg:$0x1];
	p0 =	sne.s32 s2, $0x0  }
0xa0: {  	s3 =	rddreg [dreg:$0x2];
	[bflag:$0x3] =	sbarrier.arrive $0xFFFF;
	s2 =	simm.s32 @!p0 $0x1C07  }
0xa1: {  	[timem:s3], [sflag:s2] =	dma.local @!p0 [hbm:s0], s1  }
0xa2: {  	s0 =	simm.s32 @!p0 $0x7  }
0xa3: {  	_ =	swait.ge @!p0 [sflag:s0], s1  }
0xa4: {  	s1 =	ssub.s32 @!p0 $0x0, s1;
	[sflag:s0] =	ssyncset.done @!p0 $0x0  }
0xa5: {  	[sflag:s0] =	ssyncadd.s32 @!p0 s1  }
0xa6: {  	[bflag:$0x3] =	sbarrier.arrive $0xFFFF  }
0xa7: {  	_ =	shalt  }

</sc_bundles>
